<compile_context>
chip_gen: v7x
topology: tpu7x:2x2x1
jax: 0.10.2.dev20260603
libtpu: 0.0.44.dev20260713+nightly
codegen_flags: <defaults>
</compile_context>

<pallas_src>
import functools

import jax
import jax.numpy as jnp
from jax.experimental import pallas as pl

_IN = 4
_NC = 16
_HID = 100
_HP = 128
_PAD = -100.0


def _fwd_kernel(xc_ref, w1_ref, w2_ref, out_ref, *, Q):
    xd = jnp.concatenate([xc_ref[0, g].T for g in range(8)], axis=1)
    w1 = w1_ref[...]
    w2 = w2_ref[...]
    ones = jnp.ones((1, Q), jnp.float32)
    pad1 = jnp.full((1, 1), _PAD, jnp.float32)

    phases = []
    for j in range(8):
        rows = []
        for k in range(_IN):
            o = j - 3 + k
            if o >= 0:
                rows.append(xd[o:o + 1, :])
            else:
                rows.append(
                    jnp.concatenate([pad1, xd[o + 8:o + 9, :Q - 1]], axis=1))
        rows.append(ones)
        xt = jnp.concatenate(rows, axis=0)

        ht = jnp.dot(w1, xt, preferred_element_type=jnp.float32)
        ht = jnp.maximum(ht, 0.0)
        lt = jnp.dot(w2, ht, preferred_element_type=jnp.float32)

        m = jnp.max(lt, axis=0, keepdims=True)
        s = jnp.sum(jnp.exp(lt - m), axis=0, keepdims=True)
        phases.append(lt - m - jnp.log(s))

    out128 = jnp.concatenate(phases, axis=0)
    out_ref[0] = out128.T


@functools.partial(jax.jit, static_argnames=("interpret",))
def kernel(input_, W1, b1, W2, b2, interpret=False):
    B, T = input_.shape
    Q = T // 8

    w1a = jnp.zeros((_HP, _IN + 1), jnp.float32)
    w1a = w1a.at[:_HID, :_IN].set(W1.T).at[:_HID, _IN].set(b1)
    w1a = w1a.at[_HP - 1, _IN].set(1.0)
    w2a = jnp.zeros((_NC, _HP), jnp.float32)
    w2a = w2a.at[:, :_HID].set(W2.T).at[:, _HP - 1].set(b2)

    x4 = input_.reshape(B, 8, 128, 8)

    out = pl.pallas_call(
        functools.partial(_fwd_kernel, Q=Q),
        grid=(B,),
        in_specs=[
            pl.BlockSpec((1, 8, 128, 8), lambda b: (b, 0, 0, 0)),
            pl.BlockSpec((_HP, _IN + 1), lambda b: (0, 0)),
            pl.BlockSpec((_NC, _HP), lambda b: (0, 0)),
        ],
        out_specs=pl.BlockSpec((1, Q, _HP), lambda b: (b, 0, 0)),
        out_shape=jax.ShapeDtypeStruct((B, Q, _HP), jnp.float32),
        interpret=interpret,
    )(x4, w1a, w2a)
    return out.reshape(B, T, _NC)

# --- scband reference (transcript-rebuilt; emitter-appended) ---
"""Pipeline reference for scband-detector-33380485825013 (READ-ONLY COPY).

The authoritative reference and input builder live on the scoring server;
editing this copy changes nothing except your own understanding.
"""

import jax, jax.numpy as jnp
import numpy as np

INPUT_SIZE = 4
N_CLASSES = 16
HIDDEN = 100
START_PADDING_VALUE = -100.0


def setup_inputs(seed: int = 0) -> dict:
    key = jax.random.key(seed)
    k1, k2, k3 = jax.random.split(key, 3)
    input_ = jax.random.normal(k1, (128, 8192), dtype=jnp.float32)
    W1 = jax.random.normal(k2, (INPUT_SIZE, HIDDEN), dtype=jnp.float32) * 0.1
    b1 = jnp.zeros((HIDDEN,), dtype=jnp.float32)
    W2 = jax.random.normal(k3, (HIDDEN, N_CLASSES), dtype=jnp.float32) * 0.1
    b2 = jnp.zeros((N_CLASSES,), dtype=jnp.float32)
    return {"input_": input_, "W1": W1, "b1": b1, "W2": W2, "b2": b2}


def reference(input_, W1, b1, W2, b2):
    # Detector.forward with detector_method='ModelBased', phase='train':
    # builds sliding-window sequence input via pad+roll (gather), runs the
    # wrapped symbol-detector model (MLP + log_softmax priors), returns priors.
    B, T = input_.shape
    padded = jnp.pad(input_, ((0, 0), (0, INPUT_SIZE - 1)),
                     constant_values=START_PADDING_VALUE)
    # torch.cat([roll(padded.unsqueeze(1), i, 2) for i in range(input_size-1,-1,-1)], dim=1)
    # then transpose(1,2)[:, :T]  ->  stack rolls on last axis and slice time.
    rolls = [jnp.roll(padded, i, axis=1) for i in range(INPUT_SIZE - 1, -1, -1)]
    sequence_input = jnp.stack(rolls, axis=2)[:, :T, :]  # [B, T, INPUT_SIZE]
    flat = sequence_input.reshape(-1, INPUT_SIZE)
    h = jax.nn.relu(flat @ W1 + b1)
    logits = h @ W2 + b2
    priors = jax.nn.log_softmax(logits, axis=-1).reshape(B, T, N_CLASSES)
    return priors

if __name__ == "__main__":
    import jax
    _d = setup_inputs()
    print(jax.jit(kernel)(*tuple(_d.values())))

</pallas_src>

<mosaic_0001>
module attributes {stable_mosaic.version = 14 : i64} {
  func.func @_fwd_kernel(%arg0: i32, %arg1: memref<1x8x128x8xf32, #tpu.memory_space<vmem>>, %arg2: memref<128x5xf32, #tpu.memory_space<vmem>>, %arg3: memref<16x128xf32, #tpu.memory_space<vmem>>, %arg4: memref<1x1024x128xf32, #tpu.memory_space<vmem>>) attributes {dimension_semantics = [#tpu.dimension_semantics<arbitrary>], iteration_bounds = array<i64: 128>, scalar_prefetch = 0 : i64, scratch_operands = 0 : i64, tpu.core_type = #tpu.core_type<tc>, window_params = [{transform_indices = @transform_0, window_bounds = array<i64: 1, 8, 128, 8>}, {pipeline_mode = #tpu.pipeline_mode<synchronous>, transform_indices = @transform_1, window_bounds = array<i64: 128, 5>}, {pipeline_mode = #tpu.pipeline_mode<synchronous>, transform_indices = @transform_2, window_bounds = array<i64: 16, 128>}, {transform_indices = @transform_3, window_bounds = array<i64: 1, 1024, 128>}]} {
    %get3A = arith.constant 0 : index
    %get3A_0 = arith.constant 0 : index
    %get3A_1 = arith.constant 0 : index
    %get3A_2 = arith.constant 0 : index
    %get3A_3 = vector.load %arg1[%get3A, %get3A_0, %get3A_1, %get3A_2] : memref<1x8x128x8xf32, #tpu.memory_space<vmem>>, vector<1x1x128x8xf32>
    %get3A_4 = vector.shape_cast %get3A_3 : vector<1x1x128x8xf32> to vector<128x8xf32>
    %transpose3A = tpu.transpose %get3A_4, [1, 0] : vector<128x8xf32> -> vector<8x128xf32>
    %get3A_5 = arith.constant 0 : index
    %get3A_6 = arith.constant 1 : index
    %get3A_7 = arith.constant 0 : index
    %get3A_8 = arith.constant 0 : index
    %get3A_9 = vector.load %arg1[%get3A_5, %get3A_6, %get3A_7, %get3A_8] : memref<1x8x128x8xf32, #tpu.memory_space<vmem>>, vector<1x1x128x8xf32>
    %get3A_10 = vector.shape_cast %get3A_9 : vector<1x1x128x8xf32> to vector<128x8xf32>
    %transpose3A_11 = tpu.transpose %get3A_10, [1, 0] : vector<128x8xf32> -> vector<8x128xf32>
    %get3A_12 = arith.constant 0 : index
    %get3A_13 = arith.constant 2 : index
    %get3A_14 = arith.constant 0 : index
    %get3A_15 = arith.constant 0 : index
    %get3A_16 = vector.load %arg1[%get3A_12, %get3A_13, %get3A_14, %get3A_15] : memref<1x8x128x8xf32, #tpu.memory_space<vmem>>, vector<1x1x128x8xf32>
    %get3A_17 = vector.shape_cast %get3A_16 : vector<1x1x128x8xf32> to vector<128x8xf32>
    %transpose3A_18 = tpu.transpose %get3A_17, [1, 0] : vector<128x8xf32> -> vector<8x128xf32>
    %get3A_19 = arith.constant 0 : index
    %get3A_20 = arith.constant 3 : index
    %get3A_21 = arith.constant 0 : index
    %get3A_22 = arith.constant 0 : index
    %get3A_23 = vector.load %arg1[%get3A_19, %get3A_20, %get3A_21, %get3A_22] : memref<1x8x128x8xf32, #tpu.memory_space<vmem>>, vector<1x1x128x8xf32>
    %get3A_24 = vector.shape_cast %get3A_23 : vector<1x1x128x8xf32> to vector<128x8xf32>
    %transpose3A_25 = tpu.transpose %get3A_24, [1, 0] : vector<128x8xf32> -> vector<8x128xf32>
    %get3A_26 = arith.constant 0 : index
    %get3A_27 = arith.constant 4 : index
    %get3A_28 = arith.constant 0 : index
    %get3A_29 = arith.constant 0 : index
    %get3A_30 = vector.load %arg1[%get3A_26, %get3A_27, %get3A_28, %get3A_29] : memref<1x8x128x8xf32, #tpu.memory_space<vmem>>, vector<1x1x128x8xf32>
    %get3A_31 = vector.shape_cast %get3A_30 : vector<1x1x128x8xf32> to vector<128x8xf32>
    %transpose3A_32 = tpu.transpose %get3A_31, [1, 0] : vector<128x8xf32> -> vector<8x128xf32>
    %get3A_33 = arith.constant 0 : index
    %get3A_34 = arith.constant 5 : index
    %get3A_35 = arith.constant 0 : index
    %get3A_36 = arith.constant 0 : index
    %get3A_37 = vector.load %arg1[%get3A_33, %get3A_34, %get3A_35, %get3A_36] : memref<1x8x128x8xf32, #tpu.memory_space<vmem>>, vector<1x1x128x8xf32>
    %get3A_38 = vector.shape_cast %get3A_37 : vector<1x1x128x8xf32> to vector<128x8xf32>
    %transpose3A_39 = tpu.transpose %get3A_38, [1, 0] : vector<128x8xf32> -> vector<8x128xf32>
    %get3A_40 = arith.constant 0 : index
    %get3A_41 = arith.constant 6 : index
    %get3A_42 = arith.constant 0 : index
    %get3A_43 = arith.constant 0 : index
    %get3A_44 = vector.load %arg1[%get3A_40, %get3A_41, %get3A_42, %get3A_43] : memref<1x8x128x8xf32, #tpu.memory_space<vmem>>, vector<1x1x128x8xf32>
    %get3A_45 = vector.shape_cast %get3A_44 : vector<1x1x128x8xf32> to vector<128x8xf32>
    %transpose3A_46 = tpu.transpose %get3A_45, [1, 0] : vector<128x8xf32> -> vector<8x128xf32>
    %get3A_47 = arith.constant 0 : index
    %get3A_48 = arith.constant 7 : index
    %get3A_49 = arith.constant 0 : index
    %get3A_50 = arith.constant 0 : index
    %get3A_51 = vector.load %arg1[%get3A_47, %get3A_48, %get3A_49, %get3A_50] : memref<1x8x128x8xf32, #tpu.memory_space<vmem>>, vector<1x1x128x8xf32>
    %get3A_52 = vector.shape_cast %get3A_51 : vector<1x1x128x8xf32> to vector<128x8xf32>
    %transpose3A_53 = tpu.transpose %get3A_52, [1, 0] : vector<128x8xf32> -> vector<8x128xf32>
    %concatenate3A = tpu.concatenate %transpose3A, %transpose3A_11, %transpose3A_18, %transpose3A_25, %transpose3A_32, %transpose3A_39, %transpose3A_46, %transpose3A_53 in 1 : vector<8x128xf32>, vector<8x128xf32>, vector<8x128xf32>, vector<8x128xf32>, vector<8x128xf32>, vector<8x128xf32>, vector<8x128xf32>, vector<8x128xf32> -> vector<8x1024xf32>
    %get3A_54 = arith.constant 0 : index
    %get3A_55 = arith.constant 0 : index
    %get3A_56 = vector.load %arg2[%get3A_54, %get3A_55] : memref<128x5xf32, #tpu.memory_space<vmem>>, vector<128x5xf32>
    %get3A_57 = arith.constant 0 : index
    %get3A_58 = arith.constant 0 : index
    %get3A_59 = vector.load %arg3[%get3A_57, %get3A_58] : memref<16x128xf32, #tpu.memory_space<vmem>>, vector<16x128xf32>
    %broadcast_in_dim3A = arith.constant 1.000000e+00 : f32
    %broadcast_in_dim3A_60 = vector.broadcast %broadcast_in_dim3A : f32 to vector<1x1024xf32>
    %broadcast_in_dim3A_61 = arith.constant -1.000000e+02 : f32
    %broadcast_in_dim3A_62 = vector.broadcast %broadcast_in_dim3A_61 : f32 to vector<1x1xf32>
    %slice3A = vector.extract_strided_slice %concatenate3A {offsets = [5, 0], sizes = [1, 1023], strides = [1, 1]} : vector<8x1024xf32> to vector<1x1023xf32>
    %concatenate3A_63 = tpu.concatenate %broadcast_in_dim3A_62, %slice3A in 1 : vector<1x1xf32>, vector<1x1023xf32> -> vector<1x1024xf32>
    %slice3A_64 = vector.extract_strided_slice %concatenate3A {offsets = [6, 0], sizes = [1, 1023], strides = [1, 1]} : vector<8x1024xf32> to vector<1x1023xf32>
    %concatenate3A_65 = tpu.concatenate %broadcast_in_dim3A_62, %slice3A_64 in 1 : vector<1x1xf32>, vector<1x1023xf32> -> vector<1x1024xf32>
    %slice3A_66 = vector.extract_strided_slice %concatenate3A {offsets = [7, 0], sizes = [1, 1023], strides = [1, 1]} : vector<8x1024xf32> to vector<1x1023xf32>
    %concatenate3A_67 = tpu.concatenate %broadcast_in_dim3A_62, %slice3A_66 in 1 : vector<1x1xf32>, vector<1x1023xf32> -> vector<1x1024xf32>
    %slice3A_68 = vector.extract_strided_slice %concatenate3A {offsets = [0, 0], sizes = [1, 1024], strides = [1, 1]} : vector<8x1024xf32> to vector<1x1024xf32>
    %concatenate3A_69 = tpu.concatenate %concatenate3A_63, %concatenate3A_65, %concatenate3A_67, %slice3A_68, %broadcast_in_dim3A_60 in 0 : vector<1x1024xf32>, vector<1x1024xf32>, vector<1x1024xf32>, vector<1x1024xf32>, vector<1x1024xf32> -> vector<5x1024xf32>
    %dot_general3A = arith.constant dense<0.000000e+00> : vector<128x1024xf32>
    %dot_general3A_70 = tpu.matmul %get3A_56, %concatenate3A_69, %dot_general3A {dimension_numbers = #tpu.dot_dimension_numbers<[1], [0], [0], [1], [0, 0, 1, 1], [], []>, transpose_lhs_hint = false} : vector<128x5xf32>, vector<5x1024xf32>, vector<128x1024xf32> -> vector<128x1024xf32>
    %max3A = arith.constant 0.000000e+00 : f32
    %max3A_71 = vector.broadcast %max3A : f32 to vector<128x1024xf32>
    %max3A_72 = arith.maximumf %dot_general3A_70, %max3A_71 : vector<128x1024xf32>
    %dot_general3A_73 = arith.constant dense<0.000000e+00> : vector<16x1024xf32>
    %dot_general3A_74 = tpu.matmul %get3A_59, %max3A_72, %dot_general3A_73 {dimension_numbers = #tpu.dot_dimension_numbers<[1], [0], [0], [1], [0, 0, 1, 1], [], []>, transpose_lhs_hint = false} : vector<16x128xf32>, vector<128x1024xf32>, vector<16x1024xf32> -> vector<16x1024xf32>
    %reduce_max3A = arith.constant dense<0xFF800000> : vector<1024xf32>
    %reduce_max3A_75 = vector.multi_reduction <maximumf>, %dot_general3A_74, %reduce_max3A [0] : vector<16x1024xf32> to vector<1024xf32>
    %broadcast_in_dim3A_76 = vector.shape_cast %reduce_max3A_75 : vector<1024xf32> to vector<1x1024xf32>
    %sub3A = vector.broadcast %broadcast_in_dim3A_76 : vector<1x1024xf32> to vector<16x1024xf32>
    %sub3A_77 = arith.subf %dot_general3A_74, %sub3A : vector<16x1024xf32>
    %exp3A = math.exp %sub3A_77 : vector<16x1024xf32>
    %reduce_sum3A = arith.constant dense<0.000000e+00> : vector<1024xf32>
    %reduce_sum3A_78 = vector.multi_reduction <add>, %exp3A, %reduce_sum3A [0] : vector<16x1024xf32> to vector<1024xf32>
    %broadcast_in_dim3A_79 = vector.shape_cast %reduce_sum3A_78 : vector<1024xf32> to vector<1x1024xf32>
    %sub3A_80 = vector.broadcast %broadcast_in_dim3A_76 : vector<1x1024xf32> to vector<16x1024xf32>
    %sub3A_81 = arith.subf %dot_general3A_74, %sub3A_80 : vector<16x1024xf32>
    %log3A = math.log %broadcast_in_dim3A_79 : vector<1x1024xf32>
    %sub3A_82 = vector.broadcast %log3A : vector<1x1024xf32> to vector<16x1024xf32>
    %sub3A_83 = arith.subf %sub3A_81, %sub3A_82 : vector<16x1024xf32>
    %slice3A_84 = vector.extract_strided_slice %concatenate3A {offsets = [6, 0], sizes = [1, 1023], strides = [1, 1]} : vector<8x1024xf32> to vector<1x1023xf32>
    %concatenate3A_85 = tpu.concatenate %broadcast_in_dim3A_62, %slice3A_84 in 1 : vector<1x1xf32>, vector<1x1023xf32> -> vector<1x1024xf32>
    %slice3A_86 = vector.extract_strided_slice %concatenate3A {offsets = [7, 0], sizes = [1, 1023], strides = [1, 1]} : vector<8x1024xf32> to vector<1x1023xf32>
    %concatenate3A_87 = tpu.concatenate %broadcast_in_dim3A_62, %slice3A_86 in 1 : vector<1x1xf32>, vector<1x1023xf32> -> vector<1x1024xf32>
    %slice3A_88 = vector.extract_strided_slice %concatenate3A {offsets = [0, 0], sizes = [1, 1024], strides = [1, 1]} : vector<8x1024xf32> to vector<1x1024xf32>
    %slice3A_89 = vector.extract_strided_slice %concatenate3A {offsets = [1, 0], sizes = [1, 1024], strides = [1, 1]} : vector<8x1024xf32> to vector<1x1024xf32>
    %concatenate3A_90 = tpu.concatenate %concatenate3A_85, %concatenate3A_87, %slice3A_88, %slice3A_89, %broadcast_in_dim3A_60 in 0 : vector<1x1024xf32>, vector<1x1024xf32>, vector<1x1024xf32>, vector<1x1024xf32>, vector<1x1024xf32> -> vector<5x1024xf32>
    %dot_general3A_91 = arith.constant dense<0.000000e+00> : vector<128x1024xf32>
    %dot_general3A_92 = tpu.matmul %get3A_56, %concatenate3A_90, %dot_general3A_91 {dimension_numbers = #tpu.dot_dimension_numbers<[1], [0], [0], [1], [0, 0, 1, 1], [], []>, transpose_lhs_hint = false} : vector<128x5xf32>, vector<5x1024xf32>, vector<128x1024xf32> -> vector<128x1024xf32>
    %max3A_93 = arith.constant 0.000000e+00 : f32
    %max3A_94 = vector.broadcast %max3A_93 : f32 to vector<128x1024xf32>
    %max3A_95 = arith.maximumf %dot_general3A_92, %max3A_94 : vector<128x1024xf32>
    %dot_general3A_96 = arith.constant dense<0.000000e+00> : vector<16x1024xf32>
    %dot_general3A_97 = tpu.matmul %get3A_59, %max3A_95, %dot_general3A_96 {dimension_numbers = #tpu.dot_dimension_numbers<[1], [0], [0], [1], [0, 0, 1, 1], [], []>, transpose_lhs_hint = false} : vector<16x128xf32>, vector<128x1024xf32>, vector<16x1024xf32> -> vector<16x1024xf32>
    %reduce_max3A_98 = arith.constant dense<0xFF800000> : vector<1024xf32>
    %reduce_max3A_99 = vector.multi_reduction <maximumf>, %dot_general3A_97, %reduce_max3A_98 [0] : vector<16x1024xf32> to vector<1024xf32>
    %broadcast_in_dim3A_100 = vector.shape_cast %reduce_max3A_99 : vector<1024xf32> to vector<1x1024xf32>
    %sub3A_101 = vector.broadcast %broadcast_in_dim3A_100 : vector<1x1024xf32> to vector<16x1024xf32>
    %sub3A_102 = arith.subf %dot_general3A_97, %sub3A_101 : vector<16x1024xf32>
    %exp3A_103 = math.exp %sub3A_102 : vector<16x1024xf32>
    %reduce_sum3A_104 = arith.constant dense<0.000000e+00> : vector<1024xf32>
    %reduce_sum3A_105 = vector.multi_reduction <add>, %exp3A_103, %reduce_sum3A_104 [0] : vector<16x1024xf32> to vector<1024xf32>
    %broadcast_in_dim3A_106 = vector.shape_cast %reduce_sum3A_105 : vector<1024xf32> to vector<1x1024xf32>
    %sub3A_107 = vector.broadcast %broadcast_in_dim3A_100 : vector<1x1024xf32> to vector<16x1024xf32>
    %sub3A_108 = arith.subf %dot_general3A_97, %sub3A_107 : vector<16x1024xf32>
    %log3A_109 = math.log %broadcast_in_dim3A_106 : vector<1x1024xf32>
    %sub3A_110 = vector.broadcast %log3A_109 : vector<1x1024xf32> to vector<16x1024xf32>
    %sub3A_111 = arith.subf %sub3A_108, %sub3A_110 : vector<16x1024xf32>
    %slice3A_112 = vector.extract_strided_slice %concatenate3A {offsets = [7, 0], sizes = [1, 1023], strides = [1, 1]} : vector<8x1024xf32> to vector<1x1023xf32>
    %concatenate3A_113 = tpu.concatenate %broadcast_in_dim3A_62, %slice3A_112 in 1 : vector<1x1xf32>, vector<1x1023xf32> -> vector<1x1024xf32>
    %slice3A_114 = vector.extract_strided_slice %concatenate3A {offsets = [0, 0], sizes = [1, 1024], strides = [1, 1]} : vector<8x1024xf32> to vector<1x1024xf32>
    %slice3A_115 = vector.extract_strided_slice %concatenate3A {offsets = [1, 0], sizes = [1, 1024], strides = [1, 1]} : vector<8x1024xf32> to vector<1x1024xf32>
    %slice3A_116 = vector.extract_strided_slice %concatenate3A {offsets = [2, 0], sizes = [1, 1024], strides = [1, 1]} : vector<8x1024xf32> to vector<1x1024xf32>
    %concatenate3A_117 = tpu.concatenate %concatenate3A_113, %slice3A_114, %slice3A_115, %slice3A_116, %broadcast_in_dim3A_60 in 0 : vector<1x1024xf32>, vector<1x1024xf32>, vector<1x1024xf32>, vector<1x1024xf32>, vector<1x1024xf32> -> vector<5x1024xf32>
    %dot_general3A_118 = arith.constant dense<0.000000e+00> : vector<128x1024xf32>
    %dot_general3A_119 = tpu.matmul %get3A_56, %concatenate3A_117, %dot_general3A_118 {dimension_numbers = #tpu.dot_dimension_numbers<[1], [0], [0], [1], [0, 0, 1, 1], [], []>, transpose_lhs_hint = false} : vector<128x5xf32>, vector<5x1024xf32>, vector<128x1024xf32> -> vector<128x1024xf32>
    %max3A_120 = arith.constant 0.000000e+00 : f32
    %max3A_121 = vector.broadcast %max3A_120 : f32 to vector<128x1024xf32>
    %max3A_122 = arith.maximumf %dot_general3A_119, %max3A_121 : vector<128x1024xf32>
    %dot_general3A_123 = arith.constant dense<0.000000e+00> : vector<16x1024xf32>
    %dot_general3A_124 = tpu.matmul %get3A_59, %max3A_122, %dot_general3A_123 {dimension_numbers = #tpu.dot_dimension_numbers<[1], [0], [0], [1], [0, 0, 1, 1], [], []>, transpose_lhs_hint = false} : vector<16x128xf32>, vector<128x1024xf32>, vector<16x1024xf32> -> vector<16x1024xf32>
    %reduce_max3A_125 = arith.constant dense<0xFF800000> : vector<1024xf32>
    %reduce_max3A_126 = vector.multi_reduction <maximumf>, %dot_general3A_124, %reduce_max3A_125 [0] : vector<16x1024xf32> to vector<1024xf32>
    %broadcast_in_dim3A_127 = vector.shape_cast %reduce_max3A_126 : vector<1024xf32> to vector<1x1024xf32>
    %sub3A_128 = vector.broadcast %broadcast_in_dim3A_127 : vector<1x1024xf32> to vector<16x1024xf32>
    %sub3A_129 = arith.subf %dot_general3A_124, %sub3A_128 : vector<16x1024xf32>
    %exp3A_130 = math.exp %sub3A_129 : vector<16x1024xf32>
    %reduce_sum3A_131 = arith.constant dense<0.000000e+00> : vector<1024xf32>
    %reduce_sum3A_132 = vector.multi_reduction <add>, %exp3A_130, %reduce_sum3A_131 [0] : vector<16x1024xf32> to vector<1024xf32>
    %broadcast_in_dim3A_133 = vector.shape_cast %reduce_sum3A_132 : vector<1024xf32> to vector<1x1024xf32>
    %sub3A_134 = vector.broadcast %broadcast_in_dim3A_127 : vector<1x1024xf32> to vector<16x1024xf32>
    %sub3A_135 = arith.subf %dot_general3A_124, %sub3A_134 : vector<16x1024xf32>
    %log3A_136 = math.log %broadcast_in_dim3A_133 : vector<1x1024xf32>
    %sub3A_137 = vector.broadcast %log3A_136 : vector<1x1024xf32> to vector<16x1024xf32>
    %sub3A_138 = arith.subf %sub3A_135, %sub3A_137 : vector<16x1024xf32>
    %slice3A_139 = vector.extract_strided_slice %concatenate3A {offsets = [0, 0], sizes = [1, 1024], strides = [1, 1]} : vector<8x1024xf32> to vector<1x1024xf32>
    %slice3A_140 = vector.extract_strided_slice %concatenate3A {offsets = [1, 0], sizes = [1, 1024], strides = [1, 1]} : vector<8x1024xf32> to vector<1x1024xf32>
    %slice3A_141 = vector.extract_strided_slice %concatenate3A {offsets = [2, 0], sizes = [1, 1024], strides = [1, 1]} : vector<8x1024xf32> to vector<1x1024xf32>
    %slice3A_142 = vector.extract_strided_slice %concatenate3A {offsets = [3, 0], sizes = [1, 1024], strides = [1, 1]} : vector<8x1024xf32> to vector<1x1024xf32>
    %concatenate3A_143 = tpu.concatenate %slice3A_139, %slice3A_140, %slice3A_141, %slice3A_142, %broadcast_in_dim3A_60 in 0 : vector<1x1024xf32>, vector<1x1024xf32>, vector<1x1024xf32>, vector<1x1024xf32>, vector<1x1024xf32> -> vector<5x1024xf32>
    %dot_general3A_144 = arith.constant dense<0.000000e+00> : vector<128x1024xf32>
    %dot_general3A_145 = tpu.matmul %get3A_56, %concatenate3A_143, %dot_general3A_144 {dimension_numbers = #tpu.dot_dimension_numbers<[1], [0], [0], [1], [0, 0, 1, 1], [], []>, transpose_lhs_hint = false} : vector<128x5xf32>, vector<5x1024xf32>, vector<128x1024xf32> -> vector<128x1024xf32>
    %max3A_146 = arith.constant 0.000000e+00 : f32
    %max3A_147 = vector.broadcast %max3A_146 : f32 to vector<128x1024xf32>
    %max3A_148 = arith.maximumf %dot_general3A_145, %max3A_147 : vector<128x1024xf32>
    %dot_general3A_149 = arith.constant dense<0.000000e+00> : vector<16x1024xf32>
    %dot_general3A_150 = tpu.matmul %get3A_59, %max3A_148, %dot_general3A_149 {dimension_numbers = #tpu.dot_dimension_numbers<[1], [0], [0], [1], [0, 0, 1, 1], [], []>, transpose_lhs_hint = false} : vector<16x128xf32>, vector<128x1024xf32>, vector<16x1024xf32> -> vector<16x1024xf32>
    %reduce_max3A_151 = arith.constant dense<0xFF800000> : vector<1024xf32>
    %reduce_max3A_152 = vector.multi_reduction <maximumf>, %dot_general3A_150, %reduce_max3A_151 [0] : vector<16x1024xf32> to vector<1024xf32>
    %broadcast_in_dim3A_153 = vector.shape_cast %reduce_max3A_152 : vector<1024xf32> to vector<1x1024xf32>
    %sub3A_154 = vector.broadcast %broadcast_in_dim3A_153 : vector<1x1024xf32> to vector<16x1024xf32>
    %sub3A_155 = arith.subf %dot_general3A_150, %sub3A_154 : vector<16x1024xf32>
    %exp3A_156 = math.exp %sub3A_155 : vector<16x1024xf32>
    %reduce_sum3A_157 = arith.constant dense<0.000000e+00> : vector<1024xf32>
    %reduce_sum3A_158 = vector.multi_reduction <add>, %exp3A_156, %reduce_sum3A_157 [0] : vector<16x1024xf32> to vector<1024xf32>
    %broadcast_in_dim3A_159 = vector.shape_cast %reduce_sum3A_158 : vector<1024xf32> to vector<1x1024xf32>
    %sub3A_160 = vector.broadcast %broadcast_in_dim3A_153 : vector<1x1024xf32> to vector<16x1024xf32>
    %sub3A_161 = arith.subf %dot_general3A_150, %sub3A_160 : vector<16x1024xf32>
    %log3A_162 = math.log %broadcast_in_dim3A_159 : vector<1x1024xf32>
    %sub3A_163 = vector.broadcast %log3A_162 : vector<1x1024xf32> to vector<16x1024xf32>
    %sub3A_164 = arith.subf %sub3A_161, %sub3A_163 : vector<16x1024xf32>
    %slice3A_165 = vector.extract_strided_slice %concatenate3A {offsets = [1, 0], sizes = [1, 1024], strides = [1, 1]} : vector<8x1024xf32> to vector<1x1024xf32>
    %slice3A_166 = vector.extract_strided_slice %concatenate3A {offsets = [2, 0], sizes = [1, 1024], strides = [1, 1]} : vector<8x1024xf32> to vector<1x1024xf32>
    %slice3A_167 = vector.extract_strided_slice %concatenate3A {offsets = [3, 0], sizes = [1, 1024], strides = [1, 1]} : vector<8x1024xf32> to vector<1x1024xf32>
    %slice3A_168 = vector.extract_strided_slice %concatenate3A {offsets = [4, 0], sizes = [1, 1024], strides = [1, 1]} : vector<8x1024xf32> to vector<1x1024xf32>
    %concatenate3A_169 = tpu.concatenate %slice3A_165, %slice3A_166, %slice3A_167, %slice3A_168, %broadcast_in_dim3A_60 in 0 : vector<1x1024xf32>, vector<1x1024xf32>, vector<1x1024xf32>, vector<1x1024xf32>, vector<1x1024xf32> -> vector<5x1024xf32>
    %dot_general3A_170 = arith.constant dense<0.000000e+00> : vector<128x1024xf32>
    %dot_general3A_171 = tpu.matmul %get3A_56, %concatenate3A_169, %dot_general3A_170 {dimension_numbers = #tpu.dot_dimension_numbers<[1], [0], [0], [1], [0, 0, 1, 1], [], []>, transpose_lhs_hint = false} : vector<128x5xf32>, vector<5x1024xf32>, vector<128x1024xf32> -> vector<128x1024xf32>
    %max3A_172 = arith.constant 0.000000e+00 : f32
    %max3A_173 = vector.broadcast %max3A_172 : f32 to vector<128x1024xf32>
    %max3A_174 = arith.maximumf %dot_general3A_171, %max3A_173 : vector<128x1024xf32>
    %dot_general3A_175 = arith.constant dense<0.000000e+00> : vector<16x1024xf32>
    %dot_general3A_176 = tpu.matmul %get3A_59, %max3A_174, %dot_general3A_175 {dimension_numbers = #tpu.dot_dimension_numbers<[1], [0], [0], [1], [0, 0, 1, 1], [], []>, transpose_lhs_hint = false} : vector<16x128xf32>, vector<128x1024xf32>, vector<16x1024xf32> -> vector<16x1024xf32>
    %reduce_max3A_177 = arith.constant dense<0xFF800000> : vector<1024xf32>
    %reduce_max3A_178 = vector.multi_reduction <maximumf>, %dot_general3A_176, %reduce_max3A_177 [0] : vector<16x1024xf32> to vector<1024xf32>
    %broadcast_in_dim3A_179 = vector.shape_cast %reduce_max3A_178 : vector<1024xf32> to vector<1x1024xf32>
    %sub3A_180 = vector.broadcast %broadcast_in_dim3A_179 : vector<1x1024xf32> to vector<16x1024xf32>
    %sub3A_181 = arith.subf %dot_general3A_176, %sub3A_180 : vector<16x1024xf32>
    %exp3A_182 = math.exp %sub3A_181 : vector<16x1024xf32>
    %reduce_sum3A_183 = arith.constant dense<0.000000e+00> : vector<1024xf32>
    %reduce_sum3A_184 = vector.multi_reduction <add>, %exp3A_182, %reduce_sum3A_183 [0] : vector<16x1024xf32> to vector<1024xf32>
    %broadcast_in_dim3A_185 = vector.shape_cast %reduce_sum3A_184 : vector<1024xf32> to vector<1x1024xf32>
    %sub3A_186 = vector.broadcast %broadcast_in_dim3A_179 : vector<1x1024xf32> to vector<16x1024xf32>
    %sub3A_187 = arith.subf %dot_general3A_176, %sub3A_186 : vector<16x1024xf32>
    %log3A_188 = math.log %broadcast_in_dim3A_185 : vector<1x1024xf32>
    %sub3A_189 = vector.broadcast %log3A_188 : vector<1x1024xf32> to vector<16x1024xf32>
    %sub3A_190 = arith.subf %sub3A_187, %sub3A_189 : vector<16x1024xf32>
    %slice3A_191 = vector.extract_strided_slice %concatenate3A {offsets = [2, 0], sizes = [1, 1024], strides = [1, 1]} : vector<8x1024xf32> to vector<1x1024xf32>
    %slice3A_192 = vector.extract_strided_slice %concatenate3A {offsets = [3, 0], sizes = [1, 1024], strides = [1, 1]} : vector<8x1024xf32> to vector<1x1024xf32>
    %slice3A_193 = vector.extract_strided_slice %concatenate3A {offsets = [4, 0], sizes = [1, 1024], strides = [1, 1]} : vector<8x1024xf32> to vector<1x1024xf32>
    %slice3A_194 = vector.extract_strided_slice %concatenate3A {offsets = [5, 0], sizes = [1, 1024], strides = [1, 1]} : vector<8x1024xf32> to vector<1x1024xf32>
    %concatenate3A_195 = tpu.concatenate %slice3A_191, %slice3A_192, %slice3A_193, %slice3A_194, %broadcast_in_dim3A_60 in 0 : vector<1x1024xf32>, vector<1x1024xf32>, vector<1x1024xf32>, vector<1x1024xf32>, vector<1x1024xf32> -> vector<5x1024xf32>
    %dot_general3A_196 = arith.constant dense<0.000000e+00> : vector<128x1024xf32>
    %dot_general3A_197 = tpu.matmul %get3A_56, %concatenate3A_195, %dot_general3A_196 {dimension_numbers = #tpu.dot_dimension_numbers<[1], [0], [0], [1], [0, 0, 1, 1], [], []>, transpose_lhs_hint = false} : vector<128x5xf32>, vector<5x1024xf32>, vector<128x1024xf32> -> vector<128x1024xf32>
    %max3A_198 = arith.constant 0.000000e+00 : f32
    %max3A_199 = vector.broadcast %max3A_198 : f32 to vector<128x1024xf32>
    %max3A_200 = arith.maximumf %dot_general3A_197, %max3A_199 : vector<128x1024xf32>
    %dot_general3A_201 = arith.constant dense<0.000000e+00> : vector<16x1024xf32>
    %dot_general3A_202 = tpu.matmul %get3A_59, %max3A_200, %dot_general3A_201 {dimension_numbers = #tpu.dot_dimension_numbers<[1], [0], [0], [1], [0, 0, 1, 1], [], []>, transpose_lhs_hint = false} : vector<16x128xf32>, vector<128x1024xf32>, vector<16x1024xf32> -> vector<16x1024xf32>
    %reduce_max3A_203 = arith.constant dense<0xFF800000> : vector<1024xf32>
    %reduce_max3A_204 = vector.multi_reduction <maximumf>, %dot_general3A_202, %reduce_max3A_203 [0] : vector<16x1024xf32> to vector<1024xf32>
    %broadcast_in_dim3A_205 = vector.shape_cast %reduce_max3A_204 : vector<1024xf32> to vector<1x1024xf32>
    %sub3A_206 = vector.broadcast %broadcast_in_dim3A_205 : vector<1x1024xf32> to vector<16x1024xf32>
    %sub3A_207 = arith.subf %dot_general3A_202, %sub3A_206 : vector<16x1024xf32>
    %exp3A_208 = math.exp %sub3A_207 : vector<16x1024xf32>
    %reduce_sum3A_209 = arith.constant dense<0.000000e+00> : vector<1024xf32>
    %reduce_sum3A_210 = vector.multi_reduction <add>, %exp3A_208, %reduce_sum3A_209 [0] : vector<16x1024xf32> to vector<1024xf32>
    %broadcast_in_dim3A_211 = vector.shape_cast %reduce_sum3A_210 : vector<1024xf32> to vector<1x1024xf32>
    %sub3A_212 = vector.broadcast %broadcast_in_dim3A_205 : vector<1x1024xf32> to vector<16x1024xf32>
    %sub3A_213 = arith.subf %dot_general3A_202, %sub3A_212 : vector<16x1024xf32>
    %log3A_214 = math.log %broadcast_in_dim3A_211 : vector<1x1024xf32>
    %sub3A_215 = vector.broadcast %log3A_214 : vector<1x1024xf32> to vector<16x1024xf32>
    %sub3A_216 = arith.subf %sub3A_213, %sub3A_215 : vector<16x1024xf32>
    %slice3A_217 = vector.extract_strided_slice %concatenate3A {offsets = [3, 0], sizes = [1, 1024], strides = [1, 1]} : vector<8x1024xf32> to vector<1x1024xf32>
    %slice3A_218 = vector.extract_strided_slice %concatenate3A {offsets = [4, 0], sizes = [1, 1024], strides = [1, 1]} : vector<8x1024xf32> to vector<1x1024xf32>
    %slice3A_219 = vector.extract_strided_slice %concatenate3A {offsets = [5, 0], sizes = [1, 1024], strides = [1, 1]} : vector<8x1024xf32> to vector<1x1024xf32>
    %slice3A_220 = vector.extract_strided_slice %concatenate3A {offsets = [6, 0], sizes = [1, 1024], strides = [1, 1]} : vector<8x1024xf32> to vector<1x1024xf32>
    %concatenate3A_221 = tpu.concatenate %slice3A_217, %slice3A_218, %slice3A_219, %slice3A_220, %broadcast_in_dim3A_60 in 0 : vector<1x1024xf32>, vector<1x1024xf32>, vector<1x1024xf32>, vector<1x1024xf32>, vector<1x1024xf32> -> vector<5x1024xf32>
    %dot_general3A_222 = arith.constant dense<0.000000e+00> : vector<128x1024xf32>
    %dot_general3A_223 = tpu.matmul %get3A_56, %concatenate3A_221, %dot_general3A_222 {dimension_numbers = #tpu.dot_dimension_numbers<[1], [0], [0], [1], [0, 0, 1, 1], [], []>, transpose_lhs_hint = false} : vector<128x5xf32>, vector<5x1024xf32>, vector<128x1024xf32> -> vector<128x1024xf32>
    %max3A_224 = arith.constant 0.000000e+00 : f32
    %max3A_225 = vector.broadcast %max3A_224 : f32 to vector<128x1024xf32>
    %max3A_226 = arith.maximumf %dot_general3A_223, %max3A_225 : vector<128x1024xf32>
    %dot_general3A_227 = arith.constant dense<0.000000e+00> : vector<16x1024xf32>
    %dot_general3A_228 = tpu.matmul %get3A_59, %max3A_226, %dot_general3A_227 {dimension_numbers = #tpu.dot_dimension_numbers<[1], [0], [0], [1], [0, 0, 1, 1], [], []>, transpose_lhs_hint = false} : vector<16x128xf32>, vector<128x1024xf32>, vector<16x1024xf32> -> vector<16x1024xf32>
    %reduce_max3A_229 = arith.constant dense<0xFF800000> : vector<1024xf32>
    %reduce_max3A_230 = vector.multi_reduction <maximumf>, %dot_general3A_228, %reduce_max3A_229 [0] : vector<16x1024xf32> to vector<1024xf32>
    %broadcast_in_dim3A_231 = vector.shape_cast %reduce_max3A_230 : vector<1024xf32> to vector<1x1024xf32>
    %sub3A_232 = vector.broadcast %broadcast_in_dim3A_231 : vector<1x1024xf32> to vector<16x1024xf32>
    %sub3A_233 = arith.subf %dot_general3A_228, %sub3A_232 : vector<16x1024xf32>
    %exp3A_234 = math.exp %sub3A_233 : vector<16x1024xf32>
    %reduce_sum3A_235 = arith.constant dense<0.000000e+00> : vector<1024xf32>
    %reduce_sum3A_236 = vector.multi_reduction <add>, %exp3A_234, %reduce_sum3A_235 [0] : vector<16x1024xf32> to vector<1024xf32>
    %broadcast_in_dim3A_237 = vector.shape_cast %reduce_sum3A_236 : vector<1024xf32> to vector<1x1024xf32>
    %sub3A_238 = vector.broadcast %broadcast_in_dim3A_231 : vector<1x1024xf32> to vector<16x1024xf32>
    %sub3A_239 = arith.subf %dot_general3A_228, %sub3A_238 : vector<16x1024xf32>
    %log3A_240 = math.log %broadcast_in_dim3A_237 : vector<1x1024xf32>
    %sub3A_241 = vector.broadcast %log3A_240 : vector<1x1024xf32> to vector<16x1024xf32>
    %sub3A_242 = arith.subf %sub3A_239, %sub3A_241 : vector<16x1024xf32>
    %slice3A_243 = vector.extract_strided_slice %concatenate3A {offsets = [4, 0], sizes = [1, 1024], strides = [1, 1]} : vector<8x1024xf32> to vector<1x1024xf32>
    %slice3A_244 = vector.extract_strided_slice %concatenate3A {offsets = [5, 0], sizes = [1, 1024], strides = [1, 1]} : vector<8x1024xf32> to vector<1x1024xf32>
    %slice3A_245 = vector.extract_strided_slice %concatenate3A {offsets = [6, 0], sizes = [1, 1024], strides = [1, 1]} : vector<8x1024xf32> to vector<1x1024xf32>
    %slice3A_246 = vector.extract_strided_slice %concatenate3A {offsets = [7, 0], sizes = [1, 1024], strides = [1, 1]} : vector<8x1024xf32> to vector<1x1024xf32>
    %concatenate3A_247 = tpu.concatenate %slice3A_243, %slice3A_244, %slice3A_245, %slice3A_246, %broadcast_in_dim3A_60 in 0 : vector<1x1024xf32>, vector<1x1024xf32>, vector<1x1024xf32>, vector<1x1024xf32>, vector<1x1024xf32> -> vector<5x1024xf32>
    %dot_general3A_248 = arith.constant dense<0.000000e+00> : vector<128x1024xf32>
    %dot_general3A_249 = tpu.matmul %get3A_56, %concatenate3A_247, %dot_general3A_248 {dimension_numbers = #tpu.dot_dimension_numbers<[1], [0], [0], [1], [0, 0, 1, 1], [], []>, transpose_lhs_hint = false} : vector<128x5xf32>, vector<5x1024xf32>, vector<128x1024xf32> -> vector<128x1024xf32>
    %max3A_250 = arith.constant 0.000000e+00 : f32
    %max3A_251 = vector.broadcast %max3A_250 : f32 to vector<128x1024xf32>
    %max3A_252 = arith.maximumf %dot_general3A_249, %max3A_251 : vector<128x1024xf32>
    %dot_general3A_253 = arith.constant dense<0.000000e+00> : vector<16x1024xf32>
    %dot_general3A_254 = tpu.matmul %get3A_59, %max3A_252, %dot_general3A_253 {dimension_numbers = #tpu.dot_dimension_numbers<[1], [0], [0], [1], [0, 0, 1, 1], [], []>, transpose_lhs_hint = false} : vector<16x128xf32>, vector<128x1024xf32>, vector<16x1024xf32> -> vector<16x1024xf32>
    %reduce_max3A_255 = arith.constant dense<0xFF800000> : vector<1024xf32>
    %reduce_max3A_256 = vector.multi_reduction <maximumf>, %dot_general3A_254, %reduce_max3A_255 [0] : vector<16x1024xf32> to vector<1024xf32>
    %broadcast_in_dim3A_257 = vector.shape_cast %reduce_max3A_256 : vector<1024xf32> to vector<1x1024xf32>
    %sub3A_258 = vector.broadcast %broadcast_in_dim3A_257 : vector<1x1024xf32> to vector<16x1024xf32>
    %sub3A_259 = arith.subf %dot_general3A_254, %sub3A_258 : vector<16x1024xf32>
    %exp3A_260 = math.exp %sub3A_259 : vector<16x1024xf32>
    %reduce_sum3A_261 = arith.constant dense<0.000000e+00> : vector<1024xf32>
    %reduce_sum3A_262 = vector.multi_reduction <add>, %exp3A_260, %reduce_sum3A_261 [0] : vector<16x1024xf32> to vector<1024xf32>
    %broadcast_in_dim3A_263 = vector.shape_cast %reduce_sum3A_262 : vector<1024xf32> to vector<1x1024xf32>
    %sub3A_264 = vector.broadcast %broadcast_in_dim3A_257 : vector<1x1024xf32> to vector<16x1024xf32>
    %sub3A_265 = arith.subf %dot_general3A_254, %sub3A_264 : vector<16x1024xf32>
    %log3A_266 = math.log %broadcast_in_dim3A_263 : vector<1x1024xf32>
    %sub3A_267 = vector.broadcast %log3A_266 : vector<1x1024xf32> to vector<16x1024xf32>
    %sub3A_268 = arith.subf %sub3A_265, %sub3A_267 : vector<16x1024xf32>
    %concatenate3A_269 = tpu.concatenate %sub3A_83, %sub3A_111, %sub3A_138, %sub3A_164, %sub3A_190, %sub3A_216, %sub3A_242, %sub3A_268 in 0 : vector<16x1024xf32>, vector<16x1024xf32>, vector<16x1024xf32>, vector<16x1024xf32>, vector<16x1024xf32>, vector<16x1024xf32>, vector<16x1024xf32>, vector<16x1024xf32> -> vector<128x1024xf32>
    %transpose3A_270 = tpu.transpose %concatenate3A_269, [1, 0] : vector<128x1024xf32> -> vector<1024x128xf32>
    %swap3A = arith.constant 0 : index
    %swap3A_271 = arith.constant 0 : index
    %swap3A_272 = arith.constant 0 : index
    %swap3A_273 = vector.load %arg4[%swap3A, %swap3A_271, %swap3A_272] : memref<1x1024x128xf32, #tpu.memory_space<vmem>>, vector<1x1024x128xf32>
    %swap3A_274 = vector.shape_cast %swap3A_273 : vector<1x1024x128xf32> to vector<1024x128xf32>
    %swap3A_275 = vector.shape_cast %transpose3A_270 : vector<1024x128xf32> to vector<1x1024x128xf32>
    tpu.vector_store %arg4[%swap3A, %swap3A_271, %swap3A_272], %swap3A_275 {strides = array<i32>} : memref<1x1024x128xf32, #tpu.memory_space<vmem>>, vector<1x1024x128xf32>,
    return
  }
  func.func @transform_0(%arg0: i32) -> (i32, i32, i32, i32) {
    %c0_i32 = arith.constant 0 : i32
    %c0_i32_0 = arith.constant 0 : i32
    %c0_i32_1 = arith.constant 0 : i32
    %c0_i32_2 = arith.constant 0 : i32
    return %arg0, %c0_i32, %c0_i32_0, %c0_i32_1 : i32, i32, i32, i32
  }
  func.func @transform_1(%arg0: i32) -> (i32, i32) {
    %c0_i32 = arith.constant 0 : i32
    %c0_i32_0 = arith.constant 0 : i32
    %c0_i32_1 = arith.constant 0 : i32
    return %c0_i32, %c0_i32_0 : i32, i32
  }
  func.func @transform_2(%arg0: i32) -> (i32, i32) {
    %c0_i32 = arith.constant 0 : i32
    %c0_i32_0 = arith.constant 0 : i32
    %c0_i32_1 = arith.constant 0 : i32
    return %c0_i32, %c0_i32_0 : i32, i32
  }
  func.func @transform_3(%arg0: i32) -> (i32, i32, i32) {
    %c0_i32 = arith.constant 0 : i32
    %c0_i32_0 = arith.constant 0 : i32
    %c0_i32_1 = arith.constant 0 : i32
    return %arg0, %c0_i32, %c0_i32_0 : i32, i32, i32
  }
}

</mosaic_0001>

<sc_bundles>
// kernel: sparse-core-data-format-call.cloned.1.call-start
scs
called_computation_lowered:
.L_overlay_start_0:
0x0: {  	s2 =	sld [smem:$0x3FD9]  }
0x1: {  	s3 =	sld [smem:$0x3FFE];
	_ =	sdelay $0x1  }
0x2: {  	s1 =	srdreg.scid  }
0x3: {  	s0 =	sand.u32 $0x1, s1  }
0x4: {  	s18 =	sshll.u32 s0, $0xA;
	s2 =	sadd.s32 s3, s2  }
0x5: {  	s2 =	sadd.s32 s2, s18  }
0x6: {  	[smem:$0x3FC3] =	sst s2  }
0x7: {  	_ = 	snop  }
0x8: {  	s2 =	sld [smem:$0x3FD0];
	(tm) =	ssettm $0x1  }
0x9: {  	s19 =	sld [smem:$0x3FFB];
	_ =	sdelay $0x3  }
0xa: {  	_ =	strace s19  }
0xb: {  	s3 =	sld [smem:$0x3FFC];
	_ =	sdelay $0x3  }
0xc: {  	_ =	strace s3  }
0xd: {  	s3 =	sld [smem:$0x3FFD];
	_ =	sdelay $0x3  }
0xe: {  	_ =	strace s3  }
0xf: {  	_ =	strace $0x8FFFFFFF  }
0x10: {  	s20 =	sld [smem:$0x3FDB];
	_ =	sdelay $0x1  }
0x11: {  	s4 =	simm.s32 $_scs_section_size  }
0x12: {  	s5 =	simm.s32 $_size__tile_overlayer_lowered;
	s6 =	simm.s32 $_tile_overlayer_lowered  }
0x13: {  	s23 =	simm.s32 $0x1BFF;
	s22 =	sshll.u32 s6, $0x1;
	s3 =	sadd.s32 s4, s20  }
0x14: {  	s7 =	simm.s32 $0x0;
	s21 =	sshll.u32 s5, $0x1;
	s5 =	sadd.s32 s22, s3  }
0x15: {  	[timem:s7], [sflag:s23] =	dma.local [hbm:s5], s21  }
0x16: {  	_ =	swait.ge [sflag:s23], s21  }
0x17: {  	s4 =	ssub.s32 $0x0, s21;
	[sflag:s23] =	ssyncset.done $0x0  }
0x18: {  	[sflag:s23] =	ssyncadd.s32 s4;
	_ =	sdelay $0x1  }
0x19: {  	s24 =	simm.s32 $0x1B8B  }
0x1a: {  	_ =	swait.ge [sflag:s24], $0x1  }
0x1b: {  	[sflag:s24] =	ssyncset.done $0x0  }
0x1c: {  	s26 =	simm.s32 $0x1B8E;
	s25 =	sld [smem:$0x3FFE];
	[sflag:s24] =	ssyncadd.s32 $0xFFFFFFFF  }
0x1d: {  	s27 =	simm.s32 $execute0_lowered;
	[smem:$0x3FD2] =	sst s26  }
0x1e: {  	s5 =	sshll.u32 s27, $0x1;
	_ =	strace $0x80000046;
	[dreg:$0x1] =	wrdreg $0xFFFFFFFF  }
0x1f: {  	s28 =	simm.s32 $_size_execute0_lowered;
	s3 =	sadd.s32 s3, s5;
	[dreg:$0x0] =	wrdreg $0x0  }
0x20: {  	s5 =	sshll.u32 s28, $0x1;
	[dreg:$0x2] =	wrdreg s3  }
0x21: {  	[dreg:$0x3] =	wrdreg s5  }
0x22: {  	[dreg:$0x4] =	wrdreg $0xC0  }
0x23: {  	_ =	task [dreg:s7], $0x5FFFF  }
0x24: {  	[dreg:$0x1] =	wrdreg $0xFFFFFFFF  }
0x25: {  	[dreg:$0x0] =	wrdreg $0x60  }
0x26: {  	[dreg:$0x2] =	wrdreg s25  }
0x27: {  	[dreg:$0x3] =	wrdreg s2  }
0x28: {  	[dreg:$0x4] =	wrdreg $0x9  }
0x29: {  	_ =	task.clear_ibuf [dreg:s7], $0x5FFFF;
	_ =	strace $0x90000046  }
0x2a: {  	s29 =	simm.s32 $0x9;
	_ =	strace $0x80000048  }
0x2b: {  	_ =	swait.ge [sflag:s29], $0x1  }
0x2c: {  	[sflag:s29] =	ssyncadd.s32 $0xFFFFFFFF  }
0x2d: {  	_ =	strace $0x90000048  }
0x2e: {  	_ =	sfence  }
0x2f: {  	s30 =	sld [smem:$0x0];
	_ =	sdelay $0x2  }
0x30: {  	s31 =	sshll.u32 s1, $0xD;
	s1 =	sshrl.u32 s1, $0x2  }
0x31: {  	s3 =	sand.u32 $0x4000, s31;
	s1 =	sadd.s32 s1, s30  }
0x32: {  	s0 =	sor.u32 s3, s0;
	s1 =	sshll.u32 s1, $0x11  }
0x33: {  	s0 =	sor.u32 s1, s0  }
0x34: {  	s0 =	sadd.s32 $0x8F2B, s0  }
0x35: {  	[sflag:s0] =	ssyncadd.remote.s32 $0x1  }
0x36: {  	_ =	sfence.sel $0xFFFF  }
0x37: {  	[dreg:$0x0] =	wrdreg $0xFFFFFFFF;
	(pc) =	sbr.abs _section_cstart, $3  }
0x38: {  	[dreg:$0x1] =	wrdreg $0xFFFFFFFF  }
0x39: {  	_ =	task.clear_ibuf [dreg:s7], $0x2FFFF;
	_ =	strace $0x9FFFFFFF  }
0x3a: {  	(tm) =	ssettm $0x7FFFFFFF  }
0x3b: {  	_ =	shalt  }
tec
execute0_lowered:
.L_overlay_start_1:
0x0: {  	(tag) =	ssettag $0x1  }
0x1: {  	s0 =	srdreg.scid  }
0x2: {  	s1 =	sshll.u32 s0, $0x4  }
0x3: {  	s6 =	rddreg [dreg:$0x0];
	s0 =	stileid.u32;
	s1 =	sand.u32 $0x10, s1  }
0x4: {  	s3 =	rddreg [dreg:$0x1];
	s5 =	simm.s32 $0x1;
	s1 =	sor.u32 s0, s1  }
0x5: {  	s31 =	simm.s32 $0x2;
	s13 =	simm.s32 $0x0;
	s2 =	sshll.u32 s1, $0x7  }
0x6: {  	s8 =	simm.s32 $0x20000;
	s12 =	simm.s32 $0x0;
	s4 =	ssub.s32 $0x2000, s2  }
0x7: {  	s9 =	simm.s32 $0x0;
	s11 =	simm.s32 $0x0;
	s30 =	sand.u32 $0xF80, s4  }
.Ltmp0:
0x8: {  	s6 =	sadd.s32 $0x200000, s6;
	p0 =	sne.s32 s30, $0x0;
	(pc) =	sbr.rel .LBB1_1-.Ltmp0, $4  }
0x9: {  	s1 =	rddreg [dreg:$0x2];
	s7 =	sshrl.u32 s4, $0xC;
	s5 =	simm.s32 @!p0 $0x0  }
0xa: {  	_ =	strace $0x80000047;
	s4 =	simm.s32 $0x1;
	s5 =	sadd.s32 s5, s7  }
0xb: {  	s10 =	smov.u32 s2;
	[sflag:s4] =	ssyncpa.u1 $0x0;
	s5 =	sshll.u32 s5, $0x4  }
0xc: {  	[sflag:s31] =	ssyncpa.u1 $0x0;
	p0 =	por $0x0, $0x0;
	s7 =	sor.u32 $0x1, s5  }
.LBB1_4:
0xd: {  	v5 =	vld [tilespmem:s16+$0xFFFFFFD0];
	[tilespmem:s17+$0x2040 ss:$0x81] =	vst.msk $0xffff, v1  }
0xe: {  	v58 =	vld [tilespmem:s16+$0xFFFFFFE0];
	[tilespmem:s17+$0x2850 ss:$0x81] =	vst.msk $0xffff, v2  }
0xf: {  	s18 =	sshra.s32 s18, $0x2;
	v59 =	vld [tilespmem:s16+$0xFFFFFFF0];
	[tilespmem:s17+$0x3060 ss:$0x81] =	vst.msk $0xffff, v3  }
0x10: {  	v60 =	vld [tilespmem:s16+$0x0];
	[tilespmem:s17+$0x0 ss:$0x81] =	vst.msk $0xffff, v0;
	s15 =	sadd.s32 s18, s15  }
0x11: {  	v61 =	vld [tilespmem:s16+$0x10];
	s26 =	sshll.u32 s13, $0xD;
	[tilespmem:s15+$0x3870 ss:$0x81] =	vst.msk $0xffff, v4  }
0x12: {  	v62 =	vld [tilespmem:s16+$0x20];
	s27 =	sand.u32 $0x78, s12;
	s19 =	sshll.u32 s12, $0x3;
	s29 =	sshll.u32 s13, $0x7;
	[tilespmem:s15+$0x810 ss:$0x81] =	vst.msk $0xffff, v5  }
0x13: {  	v63 =	vld [tilespmem:s16+$0xFFFFFFC0];
	s17 =	sand.u32 $0x10000, s26;
	s28 =	sand.u32 $0x1FC00, s19;
	s19 =	sand.u32 $0x1C00, s19;
	[tilespmem:s15+$0x1020 ss:$0x81] =	vst.msk $0xffff, v58  }
0x14: {  	s13 =	sand.u32 $0x380, s29;
	s16 =	sadd.s32 s28, s17;
	s30 =	sor.u32 s27, s19;
	[tilespmem:s15+$0x1830 ss:$0x81] =	vst.msk $0xffff, v59  }
0x15: {  	s16 =	sand.u32 $0x1E000, s16;
	s13 =	sor.u32 s13, s30;
	[tilespmem:s15+$0x2040 ss:$0x81] =	vst.msk $0xffff, v60  }
0x16: {  	s31 =	sand.u32 $0x7, s12;
	s13 =	sor.u32 s16, s13;
	[tilespmem:s15+$0x2850 ss:$0x81] =	vst.msk $0xffff, v61  }
0x17: {  	s12 =	sshll.u32 s31, $0x12;
	[tilespmem:s15+$0x3060 ss:$0x81] =	vst.msk $0xffff, v62;
	s13 =	sshrl.u32 s13, $0x3  }
0x18: {  	s12 =	sor.u32 $0x80, s12;
	[tilespmem:s15+$0x0 ss:$0x81] =	vst.msk $0xffff, v63;
	s13 =	sadd.s32 s3, s13  }
0x19: {  	[hbm4b:s13+s12] =	stream.strided.scatter [tilespmem:s14], [sflag:$0x2], $0x4000, s8, s12, $0x20;
	[tilespmem:$0x10100] =	vst v63  }
.LBB1_5:
0x1a: {  	s14 =	sadd.s32 $0x1, s9  }
0x1b: {  	s12 =	sadd.s32 $0x1000, s10;
	s16 =	smov.u32 s10;
	p2 =	sgt.s32 s14, $0xF  }
0x1c: {  	s16 =	smov.u32 @p2 s12  }
0x1d: {  	s14 =	simm.s32 @p2 $0x0;
	p2 =	sgt.s32 s16, $0x1FFF  }
0x1e: {  	s16 =	smov.u32 @p2 s2;
	p2 =	sne.s32 s11, s7  }
.Ltmp1:
0x1f: {  	p1 =	slt.u32 s11, $0x2;
	(pc) =	sbr.rel @!p2 .LBB1_6-.Ltmp1, $4  }
0x20: {  	s15 =	simm.s32 @!p1 $0x2  }
0x21: {  	s13 =	smov.u32 s9;
	p0 =	por !p0, !p0;
	_ =	swait.ge @!p1 [sflag:s15], $0x4000  }
0x22: {  	s12 =	smov.u32 s10;
	[sflag:s15] =	ssyncset.done @!p1 $0x0;
	s9 =	smov.u32 s14  }
0x23: {  	s11 =	sadd.s32 $0x1, s11;
	[sflag:s15] =	ssyncadd.s32 @!p1 $0xFFFFC000;
	s10 =	smov.u32 s16  }
.LBB1_1:
0x24: {  	p1 =	sge.u32 s11, s5  }
0x25: {  	s31 =	sadd.s32 $0xFFFFFFFF, s11;
	s14 =	sxor.u32 @!p1 $0xFFFFFFFF, s11  }
0x26: {  	s15 =	sshll.u32 @!p1 s10, $0x8;
	s16 =	sshll.u32 @!p1 s9, $0x4;
	s17 =	simm.s32 @!p1 $0x800  }
0x27: {  	s14 =	sshll.u32 @!p1 s14, $0xE;
	s16 =	sand.u32 @!p1 $0xF0, s16;
	s15 =	sadd.s32 @!p1 s6, s15  }
0x28: {  	s14 =	sand.u32 @!p1 $0x4000, s14;
	s15 =	sadd.s32 @!p1 s16, s15;
	s16 =	simm.s32 @!p1 $0x80  }
0x29: {  	[tilespmem:s14], [sflag:$0x1] =	stream.strided.gather @!p1 [hbm4b:s15+s16], $0x4000, s17, s16, $0x38;
	[tilespmem:$0x10100] =	vst v63  }
0x2a: {  	p1 =	sge.u32 s31, s5  }
.Ltmp2:
0x2b: {  	_ = 	snop;
	(pc) =	sbr.rel @p1 .LBB1_5-.Ltmp2, $1  }
0x2c: {  	_ =	sdelay $0x3  }
0x2d: {  	s14 =	simm.s32 $0x1  }
0x2e: {  	_ =	swait.ge [sflag:s4], $0x4000;
	s14 =	simm.s32 @!p0 $0x0  }
0x2f: {  	[sflag:s4] =	ssyncset.done $0x0;
	s15 =	sshll.u32 s14, $0xE  }
0x30: {  	[sflag:s4] =	ssyncadd.s32 $0xFFFFC000;
	s16 =	sor.u32 $0x40, s15  }
0x31: {  	s14 =	smul.u32 $0x10200, s14;
	v0 =	vld [tilespmem:s16+$0x30]  }
0x32: {  	v3 =	vld [tilespmem:s16+$0xFFFFFFD0]  }
0x33: {  	s14 =	sshrl.u32 s14, $0x2;
	v4 =	vld [tilespmem:s16+$0xFFFFFFE0]  }
0x34: {  	v5 =	vld [tilespmem:s16+$0xFFFFFFF0];
	s15 =	sor.u32 $0x8000, s14  }
0x35: {  	s31 =	sand.u32 $0x1, s11;
	v1 =	vld [tilespmem:s16+$0x0];
	s17 =	sadd.s32 $0x0, s15  }
0x36: {  	v2 =	vld [tilespmem:s16+$0x10];
	s14 =	smul.u32 $0x10200, s31;
	[tilespmem:s17+$0x3870 ss:$0x81] =	vst.msk $0xffff, v0  }
0x37: {  	[tilespmem:s17+$0x810 ss:$0x81] =	vst.msk $0xffff, v3;
	v3 =	vld [tilespmem:s16+$0x20]  }
0x38: {  	s14 =	sshrl.u32 s14, $0x2;
	v0 =	vld [tilespmem:s16+$0xFFFFFFC0];
	[tilespmem:s17+$0x1020 ss:$0x81] =	vst.msk $0xffff, v4;
	s16 =	sadd.s32 $0x80, s16  }
0x39: {  	s18 =	simm.s32 $0x4;
	s19 =	simm.s32 $0x8;
	s14 =	sor.u32 $0x8000, s14;
	[tilespmem:s17+$0x1830 ss:$0x81] =	vst.msk $0xffff, v5;
	v4 =	vld [tilespmem:s16+$0x30]  }
.LBB1_3:
0x3a: {  	p1 =	sne.s32 s19, $0x1FC;
	v5 =	vld [tilespmem:s16+$0xFFFFFFD0];
	[tilespmem:s17+$0x2040 ss:$0x81] =	vst.msk $0xffff, v1  }
0x3b: {  	v6 =	vld [tilespmem:s16+$0xFFFFFFE0];
	[tilespmem:s17+$0x2850 ss:$0x81] =	vst.msk $0xffff, v2  }
0x3c: {  	s20 =	sshra.s32 s18, $0x2;
	s18 =	smov.u32 s19;
	v7 =	vld [tilespmem:s16+$0xFFFFFFF0];
	[tilespmem:s17+$0x3060 ss:$0x81] =	vst.msk $0xffff, v3  }
.Ltmp3:
0x3d: {  	v1 =	vld [tilespmem:s16+$0x0];
	[tilespmem:s17+$0x0 ss:$0x81] =	vst.msk $0xffff, v0;
	s17 =	sadd.s32 s20, s15;
	(pc) =	sbr.rel @p1 .LBB1_3-.Ltmp3, $4  }
0x3e: {  	v2 =	vld [tilespmem:s16+$0x10];
	[tilespmem:s17+$0x3870 ss:$0x81] =	vst.msk $0xffff, v4  }
0x3f: {  	[tilespmem:s17+$0x810 ss:$0x81] =	vst.msk $0xffff, v5;
	v3 =	vld [tilespmem:s16+$0x20]  }
0x40: {  	v0 =	vld [tilespmem:s16+$0xFFFFFFC0];
	[tilespmem:s17+$0x1020 ss:$0x81] =	vst.msk $0xffff, v6;
	s16 =	sadd.s32 $0x80, s16  }
0x41: {  	s19 =	sadd.s32 $0x4, s19;
	v4 =	vld [tilespmem:s16+$0x30];
	[tilespmem:s17+$0x1830 ss:$0x81] =	vst.msk $0xffff, v7  }
.Ltmp4:
0x42: {  	_ = 	snop;
	(pc) =	sbr.rel .LBB1_4-.Ltmp4, $1  }
0x43: {  	_ =	sdelay $0x3  }
.LBB1_6:
0x44: {  	_ =	sfence.sel $0x180000  }
0x45: {  	s2 =	simm.s32 $0x1;
	[bflag:$0x0] =	sbarrier.arrive $0xFFFF  }
0x46: {  	s31 =	simm.s32 $0x2;
	[sflag:s2] =	ssyncpa.u1 $0x1  }
0x47: {  	[sflag:s31] =	ssyncpa.u1 $0x1  }
0x48: {  	p0 =	sne.s32 s0, $0x0;
	_ =	strace $0x90000047  }
0x49: {  	s0 =	sadd.s32 @!p0 $0x100000, s1;
	[bflag:$0x2] =	sbarrier.arrive $0xFFFF  }
0x4a: {  	[sflag:s0] =	ssyncadd.tile.s32 @!p0 $0x1;
	_ =	shalt  }
.Lfunc_end1:
_tile_overlayer_lowered:
.L_overlay_start_2:
0x4b: {  	(tag) =	ssettag $0x2  }
0x4c: {  	s0 =	rddreg [dreg:$0x0];
	s2 =	stileid.u32  }
0x4d: {  	s1 =	rddreg [dreg:$0x1];
	p0 =	sne.s32 s2, $0x0  }
0x4e: {  	s3 =	rddreg [dreg:$0x2];
	[bflag:$0x3] =	sbarrier.arrive $0xFFFF;
	s2 =	simm.s32 @!p0 $0x1C01  }
0x4f: {  	[timem:s3], [sflag:s2] =	dma.local @!p0 [hbm:s0], s1  }
0x50: {  	s0 =	simm.s32 @!p0 $0x1  }
0x51: {  	_ =	swait.ge @!p0 [sflag:s0], s1  }
0x52: {  	s1 =	ssub.s32 @!p0 $0x0, s1;
	[sflag:s0] =	ssyncset.done @!p0 $0x0  }
0x53: {  	[sflag:s0] =	ssyncadd.s32 @!p0 s1  }
0x54: {  	[bflag:$0x3] =	sbarrier.arrive $0xFFFF  }
0x55: {  	_ =	shalt  }

</sc_bundles>
